<compile_context>
chip_gen: v7x
topology: tpu7x:2x2x1
jax: 0.10.2.dev20260603
libtpu: 0.0.44.dev20260713+nightly
codegen_flags: <defaults>
</compile_context>

<pallas_src>
import functools

import jax
import jax.numpy as jnp
from jax import lax
from jax.experimental import pallas as pl
from jax.experimental.pallas import tpu as pltpu
from jax.experimental.pallas import tpu_sc as plsc

_MAX_PATH_DISTANCE = 5.0
_LANES = 16
_TILE = 80000
_F32_MAX = float(jnp.finfo(jnp.float32).max)


def kernel(x, edge_attr, weights, edge_vector):
    n_rows, n_cols = weights.shape
    total = n_rows * n_cols
    n_tiles = total // _TILE
    assert n_tiles * _TILE == total

    info = plsc.get_sparse_core_info()
    nc, ns = info.num_cores, info.num_subcores
    nw = nc * ns
    tiles_per_worker = pl.cdiv(n_tiles, nw)

    mesh = plsc.VectorSubcoreMesh(core_axis_name="c", subcore_axis_name="s")

    @functools.partial(
        pl.kernel,
        mesh=mesh,
        out_type=jax.ShapeDtypeStruct((total,), jnp.float32),
        scratch_types=[
            pltpu.VMEM((_LANES,), jnp.float32),
            pltpu.VMEM((_TILE,), jnp.float32),
        ],
    )
    def _sc_edge_encoding(scale_hbm, w_hbm, out_hbm, scale_buf, buf):
        wid = lax.axis_index("s") * nc + lax.axis_index("c")
        pltpu.sync_copy(scale_hbm, scale_buf)
        scale = scale_buf[...]

        def do_tile(t):
            off = t * _TILE
            pltpu.sync_copy(w_hbm.at[pl.ds(off, _TILE)], buf)

            def vec_step(i, carry):
                base = i * _LANES
                v = buf[pl.ds(base, _LANES)]
                r = jnp.minimum(v, _MAX_PATH_DISTANCE) * scale
                r_clipped = jnp.minimum(jnp.maximum(r, -_F32_MAX), _F32_MAX)
                buf[pl.ds(base, _LANES)] = jnp.where(r != r, 0.0, r_clipped)
                return carry

            lax.fori_loop(0, _TILE // _LANES, vec_step, 0, unroll=8)
            pltpu.sync_copy(buf, out_hbm.at[pl.ds(off, _TILE)])

        def tile_step(k, carry):
            t = wid + k * nw

            @pl.when(t < n_tiles)
            def _():
                do_tile(t)

            return carry

        lax.fori_loop(0, tiles_per_worker, tile_step, 0)

    scale_vec = jnp.broadcast_to(jnp.mean(edge_vector), (_LANES,))
    out_flat = _sc_edge_encoding(scale_vec, weights.reshape(total))
    return out_flat.reshape(n_rows, n_cols)

# --- scband reference (transcript-rebuilt; emitter-appended) ---
"""Pipeline reference for scband-edge-encoding-57655640982216 (READ-ONLY COPY).

The authoritative reference and input builder live on the scoring server;
editing this copy changes nothing except your own understanding.
"""

import jax, jax.numpy as jnp
import numpy as np

NUM_NODES = 10000
NODE_DIM = 128
NUM_EDGES = 160000
EDGE_DIM = 16
MAX_PATH_DISTANCE = 5


def setup_inputs(seed: int = 0) -> dict:
    key = jax.random.key(seed)
    k1, k2, k3, k4 = jax.random.split(key, 4)
    x = jax.random.normal(k1, (NUM_NODES, NODE_DIM), dtype=jnp.float32)
    edge_attr = jax.random.normal(k2, (NUM_EDGES, EDGE_DIM), dtype=jnp.float32)
    weights = jax.random.uniform(k3, (NUM_NODES, NUM_NODES), dtype=jnp.float32)
    # learned parameter from __init__: self.edge_vector = nn.Parameter(torch.randn(1, edge_dim))
    edge_vector = jax.random.normal(k4, (1, EDGE_DIM), dtype=jnp.float32)
    return {"x": x, "edge_attr": edge_attr, "weights": weights, "edge_vector": edge_vector}


def reference(x, edge_attr, weights, edge_vector):
    # weights is a 2D tensor, so the torch module takes the dense branch:
    # scaled_weights = clamp(weights, max=max_path_distance)
    # cij = scaled_weights * edge_vector.mean()
    scaled_weights = jnp.minimum(weights, jnp.float32(MAX_PATH_DISTANCE))
    cij = scaled_weights * jnp.mean(edge_vector)
    cij = jnp.nan_to_num(cij)
    return cij

if __name__ == "__main__":
    import jax
    _d = setup_inputs()
    print(jax.jit(kernel)(*tuple(_d.values())))

</pallas_src>

<mosaic_0001>
#map = affine_map<(d0, d1) -> (0)>
module attributes {stable_mosaic.version = 14 : i64} {
  func.func @_sc_edge_encoding(%arg0: i32, %arg1: i32, %arg2: memref<16xf32, #tpu.memory_space<hbm>>, %arg3: memref<100000000xf32, #tpu.memory_space<hbm>>, %arg4: memref<100000000xf32, #tpu.memory_space<hbm>>, %arg5: memref<16xf32, #tpu.memory_space<vmem>>, %arg6: memref<80000xf32, #tpu.memory_space<vmem>>) attributes {dimension_semantics = [#tpu.dimension_semantics<core_parallel>, #tpu.dimension_semantics<subcore_parallel>], iteration_bounds = array<i64: 2, 16>, scalar_prefetch = 0 : i64, scratch_operands = 2 : i64, tpu.core_type = #tpu.core_type<sc_vector_subcore>, window_params = [{transform_indices = #map}, {transform_indices = #map}, {transform_indices = #map}]} {
    %mul3A = arith.constant 2 : i32
    %mul3A_0 = arith.muli %arg1, %mul3A : i32
    %add3A = arith.addi %mul3A_0, %arg0 : i32
    "tpu.region"() ({
      %run_scoped3A = tpu.sem_alloc : memref<!tpu.dma_semaphore, #tpu.memory_space<semaphore_mem>>
      tpu.enqueue_dma source(%arg2 : memref<16xf32, #tpu.memory_space<hbm>>) target(%arg5 : memref<16xf32, #tpu.memory_space<vmem>>) target_semaphore(%run_scoped3A : memref<!tpu.dma_semaphore, #tpu.memory_space<semaphore_mem>>)
      tpu.wait_dma2 semaphore(%run_scoped3A : memref<!tpu.dma_semaphore, #tpu.memory_space<semaphore_mem>>) src(%arg2 : memref<16xf32, #tpu.memory_space<hbm>>) dst(%arg5 : memref<16xf32, #tpu.memory_space<vmem>>)
      tpu.yield
    }) : () -> ()
    %get3A = arith.constant 0 : index
    %get3A_1 = tpu.vector_load %arg5[%get3A] {strides = array<i32>} : memref<16xf32, #tpu.memory_space<vmem>>, vector<16xf32>,
    %get3A_2 = vector.shape_cast %get3A_1 : vector<16xf32> to vector<16xf32>
    %scan3A = arith.constant 0 : i32
    %scan3A_3 = arith.constant 0 : i32
    %scan3A_4 = arith.constant 40 : i32
    %scan3A_5 = arith.addi %scan3A_3, %scan3A_4 : i32
    %scan3A_6 = arith.constant 1 : i32
    scf.for %scan3A_8 = %scan3A_3 to %scan3A_5 step %scan3A_6  : i32 {
      %mul3A_9 = arith.constant 32 : i32
      %mul3A_10 = arith.muli %scan3A_8, %mul3A_9 : i32
      %add3A_11 = arith.addi %add3A, %mul3A_10 : i32
      %lt3A = arith.constant 1250 : i32
      %lt3A_12 = arith.cmpi slt, %add3A_11, %lt3A : i32
      %convert_element_type3A = arith.extui %lt3A_12 : i1 to i32
      %cond3A = arith.constant 0 : i32
      %cond3A_13 = arith.cmpi ne, %convert_element_type3A, %cond3A : i32
      scf.if %cond3A_13 {
        %mul3A_14 = arith.constant 80000 : i32
        %mul3A_15 = arith.muli %add3A_11, %mul3A_14 : i32
        "tpu.region"() ({
          %run_scoped3A = tpu.sem_alloc : memref<!tpu.dma_semaphore, #tpu.memory_space<semaphore_mem>>
          %dma_start3A = tpu.memref_slice %arg3[%mul3A_15] : memref<100000000xf32, #tpu.memory_space<hbm>> -> memref<80000xf32, #tpu.memory_space<hbm>>
          %dma_start3A_22 = tpu.memref_slice %arg3[%mul3A_15] : memref<100000000xf32, #tpu.memory_space<hbm>> -> memref<80000xf32, #tpu.memory_space<hbm>>
          tpu.enqueue_dma source(%dma_start3A_22 : memref<80000xf32, #tpu.memory_space<hbm>>) target(%arg6 : memref<80000xf32, #tpu.memory_space<vmem>>) target_semaphore(%run_scoped3A : memref<!tpu.dma_semaphore, #tpu.memory_space<semaphore_mem>>)
          %dma_wait3A = tpu.memref_slice %arg3[%mul3A_15] : memref<100000000xf32, #tpu.memory_space<hbm>> -> memref<80000xf32, #tpu.memory_space<hbm>>
          %dma_wait3A_23 = tpu.memref_slice %arg3[%mul3A_15] : memref<100000000xf32, #tpu.memory_space<hbm>> -> memref<80000xf32, #tpu.memory_space<hbm>>
          tpu.wait_dma2 semaphore(%run_scoped3A : memref<!tpu.dma_semaphore, #tpu.memory_space<semaphore_mem>>) src(%dma_wait3A_23 : memref<80000xf32, #tpu.memory_space<hbm>>) dst(%arg6 : memref<80000xf32, #tpu.memory_space<vmem>>)
          tpu.yield
        }) : () -> ()
        %scan3A_16 = arith.constant 0 : i32
        %scan3A_17 = arith.constant 0 : i32
        %scan3A_18 = arith.constant 5000 : i32
        %scan3A_19 = arith.addi %scan3A_17, %scan3A_18 : i32
        %scan3A_20 = arith.constant 8 : i32
        scf.for %scan3A_22 = %scan3A_17 to %scan3A_19 step %scan3A_20  : i32 {
          %mul3A_23 = arith.constant 16 : i32
          %mul3A_24 = arith.muli %scan3A_22, %mul3A_23 : i32
          %get3A_25 = arith.index_cast %mul3A_24 : i32 to index
          %get3A_26 = tpu.vector_load %arg6[%get3A_25] {strides = array<i32>} : memref<80000xf32, #tpu.memory_space<vmem>>, vector<16xf32>,
          %get3A_27 = vector.shape_cast %get3A_26 : vector<16xf32> to vector<16xf32>
          %min3A = arith.constant 5.000000e+00 : f32
          %min3A_28 = vector.broadcast %min3A : f32 to vector<16xf32>
          %min3A_29 = arith.minimumf %get3A_27, %min3A_28 : vector<16xf32>
          %mul3A_30 = arith.mulf %min3A_29, %get3A_2 : vector<16xf32>
          %max3A = arith.constant -3.40282347E+38 : f32
          %max3A_31 = vector.broadcast %max3A : f32 to vector<16xf32>
          %max3A_32 = arith.maximumf %mul3A_30, %max3A_31 : vector<16xf32>
          %min3A_33 = arith.constant 3.40282347E+38 : f32
          %min3A_34 = vector.broadcast %min3A_33 : f32 to vector<16xf32>
          %min3A_35 = arith.minimumf %max3A_32, %min3A_34 : vector<16xf32>
          %ne3A = arith.cmpf one, %mul3A_30, %mul3A_30 : vector<16xf32>
          %jit3A = arith.constant 0.000000e+00 : f32
          %broadcast_in_dim3A = vector.broadcast %jit3A : f32 to vector<16xf32>
          %select_n3A = arith.select %ne3A, %broadcast_in_dim3A, %min3A_35 : vector<16xi1>, vector<16xf32>
          %swap3A = arith.index_cast %mul3A_24 : i32 to index
          %swap3A_36 = tpu.vector_load %arg6[%swap3A] {strides = array<i32>} : memref<80000xf32, #tpu.memory_space<vmem>>, vector<16xf32>,
          %swap3A_37 = vector.shape_cast %swap3A_36 : vector<16xf32> to vector<16xf32>
          %swap3A_38 = vector.shape_cast %select_n3A : vector<16xf32> to vector<16xf32>
          tpu.vector_store %arg6[%swap3A], %swap3A_38 {strides = array<i32>} : memref<80000xf32, #tpu.memory_space<vmem>>, vector<16xf32>,
          %scan3A_39 = arith.constant 1 : i32
          %scan3A_40 = arith.addi %scan3A_22, %scan3A_39 : i32
          %mul3A_41 = arith.constant 16 : i32
          %mul3A_42 = arith.muli %scan3A_40, %mul3A_41 : i32
          %get3A_43 = arith.index_cast %mul3A_42 : i32 to index
          %get3A_44 = tpu.vector_load %arg6[%get3A_43] {strides = array<i32>} : memref<80000xf32, #tpu.memory_space<vmem>>, vector<16xf32>,
          %get3A_45 = vector.shape_cast %get3A_44 : vector<16xf32> to vector<16xf32>
          %min3A_46 = arith.constant 5.000000e+00 : f32
          %min3A_47 = vector.broadcast %min3A_46 : f32 to vector<16xf32>
          %min3A_48 = arith.minimumf %get3A_45, %min3A_47 : vector<16xf32>
          %mul3A_49 = arith.mulf %min3A_48, %get3A_2 : vector<16xf32>
          %max3A_50 = arith.constant -3.40282347E+38 : f32
          %max3A_51 = vector.broadcast %max3A_50 : f32 to vector<16xf32>
          %max3A_52 = arith.maximumf %mul3A_49, %max3A_51 : vector<16xf32>
          %min3A_53 = arith.constant 3.40282347E+38 : f32
          %min3A_54 = vector.broadcast %min3A_53 : f32 to vector<16xf32>
          %min3A_55 = arith.minimumf %max3A_52, %min3A_54 : vector<16xf32>
          %ne3A_56 = arith.cmpf one, %mul3A_49, %mul3A_49 : vector<16xf32>
          %jit3A_57 = arith.constant 0.000000e+00 : f32
          %broadcast_in_dim3A_58 = vector.broadcast %jit3A_57 : f32 to vector<16xf32>
          %select_n3A_59 = arith.select %ne3A_56, %broadcast_in_dim3A_58, %min3A_55 : vector<16xi1>, vector<16xf32>
          %swap3A_60 = arith.index_cast %mul3A_42 : i32 to index
          %swap3A_61 = tpu.vector_load %arg6[%swap3A_60] {strides = array<i32>} : memref<80000xf32, #tpu.memory_space<vmem>>, vector<16xf32>,
          %swap3A_62 = vector.shape_cast %swap3A_61 : vector<16xf32> to vector<16xf32>
          %swap3A_63 = vector.shape_cast %select_n3A_59 : vector<16xf32> to vector<16xf32>
          tpu.vector_store %arg6[%swap3A_60], %swap3A_63 {strides = array<i32>} : memref<80000xf32, #tpu.memory_space<vmem>>, vector<16xf32>,
          %scan3A_64 = arith.constant 2 : i32
          %scan3A_65 = arith.addi %scan3A_22, %scan3A_64 : i32
          %mul3A_66 = arith.constant 16 : i32
          %mul3A_67 = arith.muli %scan3A_65, %mul3A_66 : i32
          %get3A_68 = arith.index_cast %mul3A_67 : i32 to index
          %get3A_69 = tpu.vector_load %arg6[%get3A_68] {strides = array<i32>} : memref<80000xf32, #tpu.memory_space<vmem>>, vector<16xf32>,
          %get3A_70 = vector.shape_cast %get3A_69 : vector<16xf32> to vector<16xf32>
          %min3A_71 = arith.constant 5.000000e+00 : f32
          %min3A_72 = vector.broadcast %min3A_71 : f32 to vector<16xf32>
          %min3A_73 = arith.minimumf %get3A_70, %min3A_72 : vector<16xf32>
          %mul3A_74 = arith.mulf %min3A_73, %get3A_2 : vector<16xf32>
          %max3A_75 = arith.constant -3.40282347E+38 : f32
          %max3A_76 = vector.broadcast %max3A_75 : f32 to vector<16xf32>
          %max3A_77 = arith.maximumf %mul3A_74, %max3A_76 : vector<16xf32>
          %min3A_78 = arith.constant 3.40282347E+38 : f32
          %min3A_79 = vector.broadcast %min3A_78 : f32 to vector<16xf32>
          %min3A_80 = arith.minimumf %max3A_77, %min3A_79 : vector<16xf32>
          %ne3A_81 = arith.cmpf one, %mul3A_74, %mul3A_74 : vector<16xf32>
          %jit3A_82 = arith.constant 0.000000e+00 : f32
          %broadcast_in_dim3A_83 = vector.broadcast %jit3A_82 : f32 to vector<16xf32>
          %select_n3A_84 = arith.select %ne3A_81, %broadcast_in_dim3A_83, %min3A_80 : vector<16xi1>, vector<16xf32>
          %swap3A_85 = arith.index_cast %mul3A_67 : i32 to index
          %swap3A_86 = tpu.vector_load %arg6[%swap3A_85] {strides = array<i32>} : memref<80000xf32, #tpu.memory_space<vmem>>, vector<16xf32>,
          %swap3A_87 = vector.shape_cast %swap3A_86 : vector<16xf32> to vector<16xf32>
          %swap3A_88 = vector.shape_cast %select_n3A_84 : vector<16xf32> to vector<16xf32>
          tpu.vector_store %arg6[%swap3A_85], %swap3A_88 {strides = array<i32>} : memref<80000xf32, #tpu.memory_space<vmem>>, vector<16xf32>,
          %scan3A_89 = arith.constant 3 : i32
          %scan3A_90 = arith.addi %scan3A_22, %scan3A_89 : i32
          %mul3A_91 = arith.constant 16 : i32
          %mul3A_92 = arith.muli %scan3A_90, %mul3A_91 : i32
          %get3A_93 = arith.index_cast %mul3A_92 : i32 to index
          %get3A_94 = tpu.vector_load %arg6[%get3A_93] {strides = array<i32>} : memref<80000xf32, #tpu.memory_space<vmem>>, vector<16xf32>,
          %get3A_95 = vector.shape_cast %get3A_94 : vector<16xf32> to vector<16xf32>
          %min3A_96 = arith.constant 5.000000e+00 : f32
          %min3A_97 = vector.broadcast %min3A_96 : f32 to vector<16xf32>
          %min3A_98 = arith.minimumf %get3A_95, %min3A_97 : vector<16xf32>
          %mul3A_99 = arith.mulf %min3A_98, %get3A_2 : vector<16xf32>
          %max3A_100 = arith.constant -3.40282347E+38 : f32
          %max3A_101 = vector.broadcast %max3A_100 : f32 to vector<16xf32>
          %max3A_102 = arith.maximumf %mul3A_99, %max3A_101 : vector<16xf32>
          %min3A_103 = arith.constant 3.40282347E+38 : f32
          %min3A_104 = vector.broadcast %min3A_103 : f32 to vector<16xf32>
          %min3A_105 = arith.minimumf %max3A_102, %min3A_104 : vector<16xf32>
          %ne3A_106 = arith.cmpf one, %mul3A_99, %mul3A_99 : vector<16xf32>
          %jit3A_107 = arith.constant 0.000000e+00 : f32
          %broadcast_in_dim3A_108 = vector.broadcast %jit3A_107 : f32 to vector<16xf32>
          %select_n3A_109 = arith.select %ne3A_106, %broadcast_in_dim3A_108, %min3A_105 : vector<16xi1>, vector<16xf32>
          %swap3A_110 = arith.index_cast %mul3A_92 : i32 to index
          %swap3A_111 = tpu.vector_load %arg6[%swap3A_110] {strides = array<i32>} : memref<80000xf32, #tpu.memory_space<vmem>>, vector<16xf32>,
          %swap3A_112 = vector.shape_cast %swap3A_111 : vector<16xf32> to vector<16xf32>
          %swap3A_113 = vector.shape_cast %select_n3A_109 : vector<16xf32> to vector<16xf32>
          tpu.vector_store %arg6[%swap3A_110], %swap3A_113 {strides = array<i32>} : memref<80000xf32, #tpu.memory_space<vmem>>, vector<16xf32>,
          %scan3A_114 = arith.constant 4 : i32
          %scan3A_115 = arith.addi %scan3A_22, %scan3A_114 : i32
          %mul3A_116 = arith.constant 16 : i32
          %mul3A_117 = arith.muli %scan3A_115, %mul3A_116 : i32
          %get3A_118 = arith.index_cast %mul3A_117 : i32 to index
          %get3A_119 = tpu.vector_load %arg6[%get3A_118] {strides = array<i32>} : memref<80000xf32, #tpu.memory_space<vmem>>, vector<16xf32>,
          %get3A_120 = vector.shape_cast %get3A_119 : vector<16xf32> to vector<16xf32>
          %min3A_121 = arith.constant 5.000000e+00 : f32
          %min3A_122 = vector.broadcast %min3A_121 : f32 to vector<16xf32>
          %min3A_123 = arith.minimumf %get3A_120, %min3A_122 : vector<16xf32>
          %mul3A_124 = arith.mulf %min3A_123, %get3A_2 : vector<16xf32>
          %max3A_125 = arith.constant -3.40282347E+38 : f32
          %max3A_126 = vector.broadcast %max3A_125 : f32 to vector<16xf32>
          %max3A_127 = arith.maximumf %mul3A_124, %max3A_126 : vector<16xf32>
          %min3A_128 = arith.constant 3.40282347E+38 : f32
          %min3A_129 = vector.broadcast %min3A_128 : f32 to vector<16xf32>
          %min3A_130 = arith.minimumf %max3A_127, %min3A_129 : vector<16xf32>
          %ne3A_131 = arith.cmpf one, %mul3A_124, %mul3A_124 : vector<16xf32>
          %jit3A_132 = arith.constant 0.000000e+00 : f32
          %broadcast_in_dim3A_133 = vector.broadcast %jit3A_132 : f32 to vector<16xf32>
          %select_n3A_134 = arith.select %ne3A_131, %broadcast_in_dim3A_133, %min3A_130 : vector<16xi1>, vector<16xf32>
          %swap3A_135 = arith.index_cast %mul3A_117 : i32 to index
          %swap3A_136 = tpu.vector_load %arg6[%swap3A_135] {strides = array<i32>} : memref<80000xf32, #tpu.memory_space<vmem>>, vector<16xf32>,
          %swap3A_137 = vector.shape_cast %swap3A_136 : vector<16xf32> to vector<16xf32>
          %swap3A_138 = vector.shape_cast %select_n3A_134 : vector<16xf32> to vector<16xf32>
          tpu.vector_store %arg6[%swap3A_135], %swap3A_138 {strides = array<i32>} : memref<80000xf32, #tpu.memory_space<vmem>>, vector<16xf32>,
          %scan3A_139 = arith.constant 5 : i32
          %scan3A_140 = arith.addi %scan3A_22, %scan3A_139 : i32
          %mul3A_141 = arith.constant 16 : i32
          %mul3A_142 = arith.muli %scan3A_140, %mul3A_141 : i32
          %get3A_143 = arith.index_cast %mul3A_142 : i32 to index
          %get3A_144 = tpu.vector_load %arg6[%get3A_143] {strides = array<i32>} : memref<80000xf32, #tpu.memory_space<vmem>>, vector<16xf32>,
          %get3A_145 = vector.shape_cast %get3A_144 : vector<16xf32> to vector<16xf32>
          %min3A_146 = arith.constant 5.000000e+00 : f32
          %min3A_147 = vector.broadcast %min3A_146 : f32 to vector<16xf32>
          %min3A_148 = arith.minimumf %get3A_145, %min3A_147 : vector<16xf32>
          %mul3A_149 = arith.mulf %min3A_148, %get3A_2 : vector<16xf32>
          %max3A_150 = arith.constant -3.40282347E+38 : f32
          %max3A_151 = vector.broadcast %max3A_150 : f32 to vector<16xf32>
          %max3A_152 = arith.maximumf %mul3A_149, %max3A_151 : vector<16xf32>
          %min3A_153 = arith.constant 3.40282347E+38 : f32
          %min3A_154 = vector.broadcast %min3A_153 : f32 to vector<16xf32>
          %min3A_155 = arith.minimumf %max3A_152, %min3A_154 : vector<16xf32>
          %ne3A_156 = arith.cmpf one, %mul3A_149, %mul3A_149 : vector<16xf32>
          %jit3A_157 = arith.constant 0.000000e+00 : f32
          %broadcast_in_dim3A_158 = vector.broadcast %jit3A_157 : f32 to vector<16xf32>
          %select_n3A_159 = arith.select %ne3A_156, %broadcast_in_dim3A_158, %min3A_155 : vector<16xi1>, vector<16xf32>
          %swap3A_160 = arith.index_cast %mul3A_142 : i32 to index
          %swap3A_161 = tpu.vector_load %arg6[%swap3A_160] {strides = array<i32>} : memref<80000xf32, #tpu.memory_space<vmem>>, vector<16xf32>,
          %swap3A_162 = vector.shape_cast %swap3A_161 : vector<16xf32> to vector<16xf32>
          %swap3A_163 = vector.shape_cast %select_n3A_159 : vector<16xf32> to vector<16xf32>
          tpu.vector_store %arg6[%swap3A_160], %swap3A_163 {strides = array<i32>} : memref<80000xf32, #tpu.memory_space<vmem>>, vector<16xf32>,
          %scan3A_164 = arith.constant 6 : i32
          %scan3A_165 = arith.addi %scan3A_22, %scan3A_164 : i32
          %mul3A_166 = arith.constant 16 : i32
          %mul3A_167 = arith.muli %scan3A_165, %mul3A_166 : i32
          %get3A_168 = arith.index_cast %mul3A_167 : i32 to index
          %get3A_169 = tpu.vector_load %arg6[%get3A_168] {strides = array<i32>} : memref<80000xf32, #tpu.memory_space<vmem>>, vector<16xf32>,
          %get3A_170 = vector.shape_cast %get3A_169 : vector<16xf32> to vector<16xf32>
          %min3A_171 = arith.constant 5.000000e+00 : f32
          %min3A_172 = vector.broadcast %min3A_171 : f32 to vector<16xf32>
          %min3A_173 = arith.minimumf %get3A_170, %min3A_172 : vector<16xf32>
          %mul3A_174 = arith.mulf %min3A_173, %get3A_2 : vector<16xf32>
          %max3A_175 = arith.constant -3.40282347E+38 : f32
          %max3A_176 = vector.broadcast %max3A_175 : f32 to vector<16xf32>
          %max3A_177 = arith.maximumf %mul3A_174, %max3A_176 : vector<16xf32>
          %min3A_178 = arith.constant 3.40282347E+38 : f32
          %min3A_179 = vector.broadcast %min3A_178 : f32 to vector<16xf32>
          %min3A_180 = arith.minimumf %max3A_177, %min3A_179 : vector<16xf32>
          %ne3A_181 = arith.cmpf one, %mul3A_174, %mul3A_174 : vector<16xf32>
          %jit3A_182 = arith.constant 0.000000e+00 : f32
          %broadcast_in_dim3A_183 = vector.broadcast %jit3A_182 : f32 to vector<16xf32>
          %select_n3A_184 = arith.select %ne3A_181, %broadcast_in_dim3A_183, %min3A_180 : vector<16xi1>, vector<16xf32>
          %swap3A_185 = arith.index_cast %mul3A_167 : i32 to index
          %swap3A_186 = tpu.vector_load %arg6[%swap3A_185] {strides = array<i32>} : memref<80000xf32, #tpu.memory_space<vmem>>, vector<16xf32>,
          %swap3A_187 = vector.shape_cast %swap3A_186 : vector<16xf32> to vector<16xf32>
          %swap3A_188 = vector.shape_cast %select_n3A_184 : vector<16xf32> to vector<16xf32>
          tpu.vector_store %arg6[%swap3A_185], %swap3A_188 {strides = array<i32>} : memref<80000xf32, #tpu.memory_space<vmem>>, vector<16xf32>,
          %scan3A_189 = arith.constant 7 : i32
          %scan3A_190 = arith.addi %scan3A_22, %scan3A_189 : i32
          %mul3A_191 = arith.constant 16 : i32
          %mul3A_192 = arith.muli %scan3A_190, %mul3A_191 : i32
          %get3A_193 = arith.index_cast %mul3A_192 : i32 to index
          %get3A_194 = tpu.vector_load %arg6[%get3A_193] {strides = array<i32>} : memref<80000xf32, #tpu.memory_space<vmem>>, vector<16xf32>,
          %get3A_195 = vector.shape_cast %get3A_194 : vector<16xf32> to vector<16xf32>
          %min3A_196 = arith.constant 5.000000e+00 : f32
          %min3A_197 = vector.broadcast %min3A_196 : f32 to vector<16xf32>
          %min3A_198 = arith.minimumf %get3A_195, %min3A_197 : vector<16xf32>
          %mul3A_199 = arith.mulf %min3A_198, %get3A_2 : vector<16xf32>
          %max3A_200 = arith.constant -3.40282347E+38 : f32
          %max3A_201 = vector.broadcast %max3A_200 : f32 to vector<16xf32>
          %max3A_202 = arith.maximumf %mul3A_199, %max3A_201 : vector<16xf32>
          %min3A_203 = arith.constant 3.40282347E+38 : f32
          %min3A_204 = vector.broadcast %min3A_203 : f32 to vector<16xf32>
          %min3A_205 = arith.minimumf %max3A_202, %min3A_204 : vector<16xf32>
          %ne3A_206 = arith.cmpf one, %mul3A_199, %mul3A_199 : vector<16xf32>
          %jit3A_207 = arith.constant 0.000000e+00 : f32
          %broadcast_in_dim3A_208 = vector.broadcast %jit3A_207 : f32 to vector<16xf32>
          %select_n3A_209 = arith.select %ne3A_206, %broadcast_in_dim3A_208, %min3A_205 : vector<16xi1>, vector<16xf32>
          %swap3A_210 = arith.index_cast %mul3A_192 : i32 to index
          %swap3A_211 = tpu.vector_load %arg6[%swap3A_210] {strides = array<i32>} : memref<80000xf32, #tpu.memory_space<vmem>>, vector<16xf32>,
          %swap3A_212 = vector.shape_cast %swap3A_211 : vector<16xf32> to vector<16xf32>
          %swap3A_213 = vector.shape_cast %select_n3A_209 : vector<16xf32> to vector<16xf32>
          tpu.vector_store %arg6[%swap3A_210], %swap3A_213 {strides = array<i32>} : memref<80000xf32, #tpu.memory_space<vmem>>, vector<16xf32>,
        }
        %scan3A_21 = arith.constant 5000 : i32
        "tpu.region"() ({
          %run_scoped3A = tpu.sem_alloc : memref<!tpu.dma_semaphore, #tpu.memory_space<semaphore_mem>>
          %dma_start3A = tpu.memref_slice %arg4[%mul3A_15] : memref<100000000xf32, #tpu.memory_space<hbm>> -> memref<80000xf32, #tpu.memory_space<hbm>>
          %dma_start3A_22 = tpu.memref_slice %arg4[%mul3A_15] : memref<100000000xf32, #tpu.memory_space<hbm>> -> memref<80000xf32, #tpu.memory_space<hbm>>
          tpu.enqueue_dma source(%arg6 : memref<80000xf32, #tpu.memory_space<vmem>>) target(%dma_start3A_22 : memref<80000xf32, #tpu.memory_space<hbm>>) target_semaphore(%run_scoped3A : memref<!tpu.dma_semaphore, #tpu.memory_space<semaphore_mem>>)
          %dma_wait3A = tpu.memref_slice %arg4[%mul3A_15] : memref<100000000xf32, #tpu.memory_space<hbm>> -> memref<80000xf32, #tpu.memory_space<hbm>>
          %dma_wait3A_23 = tpu.memref_slice %arg4[%mul3A_15] : memref<100000000xf32, #tpu.memory_space<hbm>> -> memref<80000xf32, #tpu.memory_space<hbm>>
          tpu.wait_dma2 semaphore(%run_scoped3A : memref<!tpu.dma_semaphore, #tpu.memory_space<semaphore_mem>>) src(%arg6 : memref<80000xf32, #tpu.memory_space<vmem>>) dst(%dma_wait3A_23 : memref<80000xf32, #tpu.memory_space<hbm>>)
          tpu.yield
        }) : () -> ()
      } else {
      }
    }
    %scan3A_7 = arith.constant 40 : i32
    return
  }
}

</mosaic_0001>

<sc_bundles>
// kernel: kernel.3.cloned.1.call-start
scs
__scs_entry_jumppad:
0x0: {  	(pc) =	sbr.rel $0x88, $3  }
0x1: {  	(tag) =	ssettag $0x0;
	lr =	simm.s32 $0x1  }
0x2: {  	[smem:$0x3F9F] =	sst lr;
	_ =	strace $0xD0000000  }
0x3: {  	_ = 	snop  }
0x4: {  	_ = 	snop  }
0x5: {  	_ = 	snop  }
0x6: {  	_ = 	snop  }
0x7: {  	_ = 	snop  }
__scs_overlays_trampoline_lowered:
0x8: {  	[smem:$0x3FAE] =	sst s0  }
0x9: {  	[smem:$0x3FAF] =	sst s1  }
0xa: {  	[smem:$0x3FB0] =	sst s2  }
0xb: {  	[smem:$0x3FB1] =	sst s3  }
0xc: {  	[smem:$0x3FB2] =	sst s4  }
0xd: {  	[smem:$0x3FB3] =	sst s5  }
0xe: {  	[smem:$0x3FB4] =	sst s6  }
0xf: {  	[smem:$0x3FB5] =	sst s7  }
0x10: {  	[smem:$0x3FB6] =	sst s8  }
0x11: {  	[smem:$0x3FB7] =	sst s9;
	s0 =	simm.s32 @!p0 $0x0  }
0x12: {  	s1 =	sld [smem:$0x3F9D];
	s0 =	simm.s32 @p0 $0x1  }
0x13: {  	[smem:$0x3FB8] =	sst s0;
	s0 =	simm.s32 @!p1 $0x0  }
0x14: {  	s2 =	sld [smem:$0x3F9C];
	s0 =	simm.s32 @p1 $0x1  }
0x15: {  	[smem:$0x3FB9] =	sst s0;
	s0 =	simm.s32 @!p2 $0x0  }
0x16: {  	s3 =	sld [smem:$0x3FDB];
	s0 =	simm.s32 @p2 $0x1  }
0x17: {  	s4 =	simm.s32 $0x1BF5;
	[smem:$0x3FBB] =	sst s0  }
0x18: {  	s0 =	sld [smem:$0x3F9E];
	_ =	swait.ge [sflag:s4], $0x0  }
0x19: {  	s7 =	sld [smem:$0x3F9F]  }
0x1a: {  	s8 =	sadd.s32 $0xFFFFE003, lr  }
0x1b: {  	s9 =	sadd.s32 $0xFFFFFEF7, lr;
	s5 =	simm.s32 $0xFFFFFFFF;
	p2 =	slt.u32 s8, $0xFFFFF086  }
0x1c: {  	p1 =	slt.u32 s9, $0xF7A;
	s5 =	simm.s32 @!p2 $0x0  }
0x1d: {  	s5 =	simm.s32 @p1 $0x1;
	p0 =	seq.s32 s7, s2  }
0x1e: {  	s7 =	smul.u32 @!p0 $0xF7A, s2;
	p2 =	seq.s32 @!p0 s5, $0x0  }
0x1f: {  	s9 =	smul.u32 $0xF7A, s1;
	s8 =	simm.s32 @!p0 $0x1BF5;
	p2 =	por !p2, p0  }
0x20: {  	[sflag:s8] =	ssyncset.s32 @!p0 $0xFFFFF086;
	s6 =	sadd.s32 @!p0 s3, s7;
	s7 =	simm.s32 @!p0 $0x108  }
0x21: {  	s3 =	sadd.s32 s3, s9;
	s6 =	sadd.s32 @!p0 $0x88, s6;
	s7 =	simm.s32 @p2 $0x1082  }
0x22: {  	[simem:s7], [sflag:s8] =	dma.local @!p0 [hbm:s6], $0xF7A  }
0x23: {  	s9 =	sor.u32 $0xD0000000, s2;
	s6 =	simm.s32 $0x108;
	_ =	swait.ge @!p0 [sflag:s8], $0x0  }
0x24: {  	s3 =	sadd.s32 $0x88, s3;
	s6 =	simm.s32 @!p1 $0x1082;
	[sflag:s4] =	ssyncset.s32 $0xFFFFF086  }
0x25: {  	[simem:s6], [sflag:s4] =	dma.local [hbm:s3], $0xF7A  }
0x26: {  	[smem:$0x3F9F] =	sst s1;
	(tag) =	ssettag s2;
	_ =	strace s9  }
0x27: {  	s1 =	sld [smem:$0x3FAF]  }
0x28: {  	s2 =	sld [smem:$0x3FB0]  }
0x29: {  	s4 =	sld [smem:$0x3FB2]  }
0x2a: {  	p0 =	seq.s32 s5, $0x0;
	s5 =	sld [smem:$0x3FB3]  }
0x2b: {  	s6 =	sld [smem:$0x3FB4]  }
0x2c: {  	s7 =	sld [smem:$0x3FB5]  }
0x2d: {  	s3 =	simm.s32 $0x108;
	s8 =	sld [smem:$0x3FB6]  }
0x2e: {  	s3 =	simm.s32 @!p0 $0x1082;
	s9 =	sld [smem:$0x3FB7]  }
0x2f: {  	lr =	sadd.s32 s0, s3;
	s0 =	sld [smem:$0x3FAE]  }
0x30: {  	s3 =	sld [smem:$0x3FB1]  }
0x31: {  	[smem:$0x3FBA] =	sst s10  }
0x32: {  	s10 =	sld [smem:$0x3FB8];
	_ =	sdelay $0x3  }
0x33: {  	p0 =	seq.s32 s10, $0x1;
	s10 =	sld [smem:$0x3FBA];
	_ =	sdelay $0x3  }
0x34: {  	[smem:$0x3FBA] =	sst s10  }
0x35: {  	s10 =	sld [smem:$0x3FB9];
	_ =	sdelay $0x3  }
0x36: {  	p1 =	seq.s32 s10, $0x1;
	s10 =	sld [smem:$0x3FBA];
	_ =	sdelay $0x3  }
0x37: {  	[smem:$0x3FBA] =	sst s10  }
0x38: {  	s10 =	sld [smem:$0x3FBB]  }
0x39: {  	_ = 	snop;
	(pc) =	sbr.ind lr, $3  }
0x3a: {  	_ = 	snop  }
0x3b: {  	_ = 	snop  }
0x3c: {  	p2 =	seq.s32 s10, $0x1;
	s10 =	sld [smem:$0x3FBA]  }
0x3d: {  	_ =	shalt  }
0x3e: {  	_ =	shalt  }
0x3f: {  	_ =	shalt  }
0x40: {  	_ =	shalt  }
0x41: {  	_ =	shalt  }
0x42: {  	_ =	shalt  }
0x43: {  	_ =	shalt  }
0x44: {  	_ =	shalt  }
0x45: {  	_ =	shalt  }
0x46: {  	_ =	shalt  }
0x47: {  	_ =	shalt  }
0x48: {  	_ =	shalt  }
0x49: {  	_ =	shalt  }
0x4a: {  	_ =	shalt  }
0x4b: {  	_ =	shalt  }
0x4c: {  	_ =	shalt  }
0x4d: {  	_ =	shalt  }
0x4e: {  	_ =	shalt  }
0x4f: {  	_ =	shalt  }
0x50: {  	_ =	shalt  }
0x51: {  	_ =	shalt  }
0x52: {  	_ =	shalt  }
0x53: {  	_ =	shalt  }
0x54: {  	_ =	shalt  }
0x55: {  	_ =	shalt  }
0x56: {  	_ =	shalt  }
0x57: {  	_ =	shalt  }
0x58: {  	_ =	shalt  }
0x59: {  	_ =	shalt  }
0x5a: {  	_ =	shalt  }
0x5b: {  	_ =	shalt  }
0x5c: {  	_ =	shalt  }
0x5d: {  	_ =	shalt  }
0x5e: {  	_ =	shalt  }
0x5f: {  	_ =	shalt  }
0x60: {  	_ =	shalt  }
0x61: {  	_ =	shalt  }
0x62: {  	_ =	shalt  }
0x63: {  	_ =	shalt  }
0x64: {  	_ =	shalt  }
0x65: {  	_ =	shalt  }
0x66: {  	_ =	shalt  }
0x67: {  	_ =	shalt  }
0x68: {  	_ =	shalt  }
0x69: {  	_ =	shalt  }
0x6a: {  	_ =	shalt  }
0x6b: {  	_ =	shalt  }
0x6c: {  	_ =	shalt  }
0x6d: {  	_ =	shalt  }
0x6e: {  	_ =	shalt  }
0x6f: {  	_ =	shalt  }
0x70: {  	_ =	shalt  }
0x71: {  	_ =	shalt  }
0x72: {  	_ =	shalt  }
0x73: {  	_ =	shalt  }
0x74: {  	_ =	shalt  }
0x75: {  	_ =	shalt  }
0x76: {  	_ =	shalt  }
0x77: {  	_ =	shalt  }
0x78: {  	_ =	shalt  }
0x79: {  	_ =	shalt  }
0x7a: {  	_ =	shalt  }
0x7b: {  	_ =	shalt  }
0x7c: {  	_ =	shalt  }
0x7d: {  	_ =	shalt  }
0x7e: {  	_ =	shalt  }
0x7f: {  	_ =	shalt  }
0x80: {  	_ =	shalt  }
0x81: {  	_ =	shalt  }
0x82: {  	_ =	shalt  }
0x83: {  	_ =	shalt  }
0x84: {  	_ =	shalt  }
0x85: {  	_ =	shalt  }
0x86: {  	_ =	shalt  }
0x87: {  	_ =	shalt  }
.Lfunc_end0:
.L_simem_size_0:
called_computation_lowered:
.L_overlay_start_0:
0x88: {  	s2 =	sld [smem:$0x3FD9]  }
0x89: {  	s3 =	sld [smem:$0x3FFE];
	_ =	sdelay $0x1  }
0x8a: {  	s1 =	srdreg.scid  }
0x8b: {  	s0 =	sand.u32 $0x1, s1  }
0x8c: {  	s17 =	sshll.u32 s0, $0xA;
	s2 =	sadd.s32 s3, s2  }
0x8d: {  	s2 =	sadd.s32 s2, s17  }
0x8e: {  	[smem:$0x3FC6] =	sst s2  }
0x8f: {  	_ = 	snop  }
0x90: {  	s2 =	sld [smem:$0x3FD0];
	(tm) =	ssettm $0x1  }
0x91: {  	s18 =	sld [smem:$0x3FFB];
	_ =	sdelay $0x3  }
0x92: {  	_ =	strace s18  }
0x93: {  	s3 =	sld [smem:$0x3FFC];
	_ =	sdelay $0x3  }
0x94: {  	_ =	strace s3  }
0x95: {  	s3 =	sld [smem:$0x3FFD];
	_ =	sdelay $0x3  }
0x96: {  	_ =	strace s3  }
0x97: {  	_ =	strace $0x8FFFFFFF  }
0x98: {  	s19 =	sld [smem:$0x3FDB];
	_ =	sdelay $0x1  }
0x99: {  	s4 =	simm.s32 $_scs_section_size  }
0x9a: {  	s5 =	simm.s32 $_size__tile_overlayer_lowered;
	s6 =	simm.s32 $_tile_overlayer_lowered  }
0x9b: {  	s22 =	simm.s32 $0x1BFF;
	s21 =	sshll.u32 s6, $0x1;
	s3 =	sadd.s32 s4, s19  }
0x9c: {  	s7 =	simm.s32 $0x0;
	s20 =	sshll.u32 s5, $0x1;
	s5 =	sadd.s32 s21, s3  }
0x9d: {  	[timem:s7], [sflag:s22] =	dma.local [hbm:s5], s20  }
0x9e: {  	_ =	swait.ge [sflag:s22], s20  }
0x9f: {  	s4 =	ssub.s32 $0x0, s20;
	[sflag:s22] =	ssyncset.done $0x0  }
0xa0: {  	[sflag:s22] =	ssyncadd.s32 s4;
	_ =	sdelay $0x1  }
0xa1: {  	s23 =	simm.s32 $0x1B8B  }
0xa2: {  	_ =	swait.ge [sflag:s23], $0x1  }
0xa3: {  	[sflag:s23] =	ssyncset.done $0x0  }
0xa4: {  	s25 =	simm.s32 $0x1B8E;
	s24 =	sld [smem:$0x3FFE];
	[sflag:s23] =	ssyncadd.s32 $0xFFFFFFFF  }
0xa5: {  	s26 =	simm.s32 $execute0_lowered;
	[smem:$0x3FD2] =	sst s25  }
0xa6: {  	s5 =	sshll.u32 s26, $0x1;
	_ =	strace $0x80000046;
	[dreg:$0x1] =	wrdreg $0xFFFFFFFF  }
0xa7: {  	s28 =	simm.s32 $_size_execute0_lowered;
	s3 =	sadd.s32 s3, s5;
	[dreg:$0x0] =	wrdreg $0x0  }
0xa8: {  	s5 =	sshll.u32 s28, $0x1;
	[dreg:$0x2] =	wrdreg s3  }
0xa9: {  	[dreg:$0x3] =	wrdreg s5  }
0xaa: {  	[dreg:$0x4] =	wrdreg $0xC0  }
0xab: {  	_ =	task [dreg:s7], $0x5FFFF  }
0xac: {  	[dreg:$0x1] =	wrdreg $0xFFFFFFFF  }
0xad: {  	[dreg:$0x0] =	wrdreg $0x60  }
0xae: {  	[dreg:$0x2] =	wrdreg s24  }
0xaf: {  	[dreg:$0x3] =	wrdreg s2  }
0xb0: {  	[dreg:$0x4] =	wrdreg $0x9  }
0xb1: {  	_ =	task.clear_ibuf [dreg:s7], $0x5FFFF;
	_ =	strace $0x90000046  }
0xb2: {  	s29 =	simm.s32 $0x9;
	_ =	strace $0x80000048  }
0xb3: {  	_ =	swait.ge [sflag:s29], $0x1  }
0xb4: {  	[sflag:s29] =	ssyncadd.s32 $0xFFFFFFFF  }
0xb5: {  	_ =	strace $0x90000048  }
0xb6: {  	_ =	sfence  }
0xb7: {  	s30 =	sld [smem:$0x0];
	_ =	sdelay $0x2  }
0xb8: {  	s31 =	sshll.u32 s1, $0xD;
	s1 =	sshrl.u32 s1, $0x2  }
0xb9: {  	s3 =	sand.u32 $0x4000, s31;
	s1 =	sadd.s32 s1, s30  }
0xba: {  	s0 =	sor.u32 s3, s0;
	s1 =	sshll.u32 s1, $0x11  }
0xbb: {  	s0 =	sor.u32 s1, s0  }
0xbc: {  	s0 =	sadd.s32 $0x8F2B, s0  }
0xbd: {  	[sflag:s0] =	ssyncadd.remote.s32 $0x1  }
0xbe: {  	_ =	sfence.sel $0xFFFF  }
0xbf: {  	[dreg:$0x0] =	wrdreg $0xFFFFFFFF;
	(pc) =	sbr.abs _section_cstart, $3  }
0xc0: {  	[dreg:$0x1] =	wrdreg $0xFFFFFFFF  }
0xc1: {  	_ =	task.clear_ibuf [dreg:s7], $0x2FFFF;
	_ =	strace $0x9FFFFFFF  }
0xc2: {  	(tm) =	ssettm $0x7FFFFFFF  }
0xc3: {  	_ =	shalt  }
tec
execute0_lowered:
.L_overlay_start_1:
0x0: {  	(tag) =	ssettag $0x1  }
0x1: {  	s4 =	rddreg [dreg:$0x0]  }
0x2: {  	s1 =	rddreg [dreg:$0x1];
	s3 =	srdreg.scid  }
0x3: {  	s0 =	rddreg [dreg:$0x2];
	s2 =	simm.s32 $0x0;
	s9 =	simm.s32 $0x1  }
.Ltmp0:
0x4: {  	s10 =	simm.s32 $0x80;
	s3 =	sand.u32 $0x1, s3;
	(pc) =	sbr.rel .LBB2_1-.Ltmp0, $4  }
0x5: {  	s11 =	simm.s32 $0x2;
	s12 =	simm.s32 $0x0;
	s7 =	ssub.s32 $0x2, s3  }
0x6: {  	[smem:$0x7FF] =	sst s2;
	s5 =	sadd.s32 $0x200, s4;
	s8 =	sshrl.u32 s7, $0x1  }
0x7: {  	s6 =	sadd.s32 $0x400, s4;
	s4 =	stileid.u32;
	s8 =	ssub.s32 s7, s8  }
0x8: {  	_ =	strace $0x80000047;
	s7 =	sshll.u32 s4, $0x1;
	s8 =	smax.u32 s8, $0x1  }
.LBB2_7:
0x9: {  	s12 =	sadd.s32 $0x1, s12  }
0xa: {  	p0 =	sne.s32 s12, s8  }
.Ltmp1:
0xb: {  	_ = 	snop;
	(pc) =	sbr.rel @!p0 .LBB2_8-.Ltmp1, $1  }
0xc: {  	_ =	sdelay $0x3  }
.LBB2_1:
0xd: {  	[tilespmem:s2], [sflag:$0x1] =	stream.linear.gather [hbm4b:s5+s2], $0x80, $0x38;
	[tilespmem:$0x13900] =	vst v63  }
0xe: {  	_ =	swait.ge [sflag:s9], $0x80  }
0xf: {  	[sflag:s9] =	ssyncset.done $0x0  }
.Ltmp2:
0x10: {  	[sflag:s9] =	ssyncadd.s32 $0xFFFFFF80;
	(pc) =	sbr.rel .LBB2_2-.Ltmp2, $2  }
0x11: {  	v0 =	vld [tilespmem:$0x0];
	_ =	sdelay $0x2  }
0x12: {  	s13 =	simm.s32 $0x0  }
.LBB2_6:
0x13: {  	s13 =	sadd.s32 $0x1, s13  }
0x14: {  	p0 =	sne.s32 s13, $0x28  }
.Ltmp3:
0x15: {  	_ = 	snop;
	(pc) =	sbr.rel @!p0 .LBB2_7-.Ltmp3, $1  }
0x16: {  	_ =	sdelay $0x3  }
.LBB2_2:
0x17: {  	s14 =	sshll.u32 s13, $0x5  }
0x18: {  	s14 =	sor.u32 s7, s14  }
0x19: {  	p0 =	sgt.u32 s14, $0x4E1  }
.Ltmp4:
0x1a: {  	_ = 	snop;
	(pc) =	sbr.rel @p0 .LBB2_6-.Ltmp4, $1  }
0x1b: {  	_ =	sdelay $0x3  }
0x1c: {  	s14 =	sor.u32 s3, s14  }
0x1d: {  	s14 =	smul.u32 $0x2710, s14;
	_ =	sdelay $0x1  }
0x1e: {  	s15 =	sadd.s32 s1, s14  }
0x1f: {  	[tilespmem:s10], [sflag:$0x2] =	stream.linear.gather [hbm4b:s15+s2], $0x13880, $0x38;
	[tilespmem:$0x13900] =	vst v63  }
0x20: {  	_ =	swait.ge [sflag:s11], $0x13880  }
0x21: {  	[sflag:s11] =	ssyncset.done $0x0  }
0x22: {  	s17 =	simm.s32 $0xC0;
	[sflag:s11] =	ssyncadd.s32 $0xFFFEC780  }
0x23: {  	v2 =	vld [tilespmem:s17+$0xFFFFFFD0]  }
0x24: {  	s16 =	simm.s32 $0x140;
	v1 =	vld [tilespmem:s17+$0xFFFFFFF0]  }
0x25: {  	v4 =	vld [tilespmem:s16+$0xFFFFFFF0]  }
0x26: {  	v5 =	vld [tilespmem:s17+$0x30]  }
0x27: {  	v6 =	vld [tilespmem:s17+$0x0]  }
0x28: {  	v7 =	vld [tilespmem:s17+$0x10];
	v2 =	vmin.f32 v2, $5.000000000e+00  }
0x29: {  	v8 =	vld [tilespmem:s17+$0xFFFFFFE0];
	v2 =	vmul.f32 v2, v0  }
0x2a: {  	s15 =	simm.s32 $0x1C0;
	v3 =	vmin.f32 v1, $5.000000000e+00  }
0x2b: {  	v9 =	vld [tilespmem:s15+$0xFFFFFFF0];
	v1 =	vmin.f32 v4, $5.000000000e+00;
	v4 =	vmin.f32 v5, $5.000000000e+00;
	v2 =	vmax.f32 v2, $-3.402823470e+38  }
0x2c: {  	v5 =	vmin.f32 v6, $5.000000000e+00;
	v6 =	vld [tilespmem:s17+$0x20];
	v10 =	vmul.f32 v4, v0;
	v2 =	vmin.f32 v2, $3.402823470e+38  }
0x2d: {  	v4 =	vld [tilespmem:s17+$0xFFFFFFC0];
	v11 =	vmul.f32 v5, v0;
	v5 =	vmin.f32 v7, $5.000000000e+00;
	[tilespmem:s17+$0xFFFFFFD0] =	vst v2  }
0x2e: {  	v10 =	vmax.f32 v10, $-3.402823470e+38;
	v2 =	vmin.f32 v8, $5.000000000e+00;
	v8 =	vmul.f32 v5, v0;
	v5 =	vld [tilespmem:s16+$0xFFFFFFD0]  }
0x2f: {  	s18 =	simm.s32 $0x240;
	v11 =	vmax.f32 v11, $-3.402823470e+38;
	v10 =	vmin.f32 v10, $3.402823470e+38;
	v7 =	vmul.f32 v2, v0  }
0x30: {  	s19 =	simm.s32 $0x10;
	[tilespmem:s17+$0x30] =	vst v10;
	v2 =	vmin.f32 v9, $5.000000000e+00;
	v9 =	vmin.f32 v11, $3.402823470e+38;
	v8 =	vmax.f32 v8, $-3.402823470e+38  }
.LBB2_4:
0x31: {  	s19 =	sadd.s32 $0x8, s19;
	v10 =	vld [tilespmem:s16+$0x30];
	v7 =	vmax.f32 v7, $-3.402823470e+38;
	[tilespmem:s17+$0x0] =	vst v9;
	v8 =	vmin.f32 v8, $3.402823470e+38;
	v6 =	vmin.f32 v6, $5.000000000e+00  }
0x32: {  	p0 =	slt.u32 s19, $0x1380;
	v9 =	vld [tilespmem:s16+$0x0];
	v4 =	vmin.f32 v4, $5.000000000e+00;
	v7 =	vmin.f32 v7, $3.402823470e+38;
	[tilespmem:s17+$0x10] =	vst v8;
	v6 =	vmul.f32 v6, v0  }
0x33: {  	v5 =	vmin.f32 v5, $5.000000000e+00;
	v8 =	vld [tilespmem:s16+$0x10];
	v4 =	vmul.f32 v4, v0;
	[tilespmem:s17+$0xFFFFFFE0] =	vst v7;
	v7 =	vmul.f32 v3, v0;
	v3 =	vmovc v1  }
0x34: {  	v1 =	vmov v2;
	v5 =	vmul.f32 v5, v0;
	v11 =	vld [tilespmem:s16+$0xFFFFFFE0];
	v6 =	vmax.f32 v6, $-3.402823470e+38  }
0x35: {  	v2 =	vld [tilespmem:s18+$0xFFFFFFF0];
	v4 =	vmax.f32 v4, $-3.402823470e+38;
	v7 =	vmax.f32 v7, $-3.402823470e+38;
	v6 =	vmin.f32 v6, $3.402823470e+38  }
0x36: {  	v5 =	vmax.f32 v5, $-3.402823470e+38;
	v10 =	vmin.f32 v10, $5.000000000e+00;
	v4 =	vmin.f32 v4, $3.402823470e+38;
	[tilespmem:s17+$0x20] =	vst v6  }
.Ltmp5:
0x37: {  	v5 =	vmin.f32 v5, $3.402823470e+38;
	v9 =	vmin.f32 v9, $5.000000000e+00;
	v6 =	vld [tilespmem:s16+$0x20];
	v10 =	vmul.f32 v10, v0;
	[tilespmem:s17+$0xFFFFFFC0] =	vst v4;
	(pc) =	sbr.rel @p0 .LBB2_4-.Ltmp5, $4  }
0x38: {  	v7 =	vmin.f32 v7, $3.402823470e+38;
	v4 =	vld [tilespmem:s16+$0xFFFFFFC0];
	[tilespmem:s16+$0xFFFFFFD0] =	vst v5;
	v9 =	vmul.f32 v9, v0;
	v8 =	vmin.f32 v8, $5.000000000e+00  }
0x39: {  	v5 =	vld [tilespmem:s15+$0xFFFFFFD0];
	v11 =	vmin.f32 v11, $5.000000000e+00;
	v8 =	vmul.f32 v8, v0;
	v10 =	vmax.f32 v10, $-3.402823470e+38;
	[tilespmem:s17+$0xFFFFFFF0] =	vst v7;
	s17 =	smov.u32 s16;
	s16 =	smov.u32 s15;
	s15 =	smov.u32 s18  }
0x3a: {  	v7 =	vmul.f32 v11, v0;
	v9 =	vmax.f32 v9, $-3.402823470e+38;
	v10 =	vmin.f32 v10, $3.402823470e+38  }
0x3b: {  	s18 =	sadd.s32 $0x80, s18;
	v2 =	vmin.f32 v2, $5.000000000e+00;
	v9 =	vmin.f32 v9, $3.402823470e+38;
	v8 =	vmax.f32 v8, $-3.402823470e+38;
	[tilespmem:s17+$0x30] =	vst v10  }
0x3c: {  	v10 =	vld [tilespmem:s16+$0x30];
	[tilespmem:s17+$0x0] =	vst v9;
	v6 =	vmin.f32 v6, $5.000000000e+00;
	v8 =	vmin.f32 v8, $3.402823470e+38;
	v7 =	vmax.f32 v7, $-3.402823470e+38  }
0x3d: {  	v3 =	vmul.f32 v3, v0;
	v9 =	vld [tilespmem:s16+$0x0];
	v4 =	vmin.f32 v4, $5.000000000e+00;
	v6 =	vmul.f32 v6, v0;
	[tilespmem:s17+$0x10] =	vst v8  }
0x3e: {  	v7 =	vmin.f32 v7, $3.402823470e+38;
	v4 =	vmul.f32 v4, v0;
	v8 =	vld [tilespmem:s16+$0x10]  }
0x3f: {  	v5 =	vmin.f32 v5, $5.000000000e+00;
	v3 =	vmax.f32 v3, $-3.402823470e+38;
	v6 =	vmax.f32 v6, $-3.402823470e+38  }
0x40: {  	[tilespmem:s17+$0xFFFFFFE0] =	vst v7;
	v5 =	vmul.f32 v5, v0;
	v4 =	vmax.f32 v4, $-3.402823470e+38;
	v6 =	vmin.f32 v6, $3.402823470e+38  }
0x41: {  	v43 =	vld [tilespmem:s16+$0xFFFFFFE0];
	v42 =	vmin.f32 v10, $5.000000000e+00;
	v4 =	vmin.f32 v4, $3.402823470e+38;
	[tilespmem:s17+$0x20] =	vst v6  }
0x42: {  	v5 =	vmax.f32 v5, $-3.402823470e+38;
	v44 =	vmul.f32 v42, v0;
	v45 =	vmin.f32 v9, $5.000000000e+00;
	v46 =	vld [tilespmem:s16+$0x20];
	[tilespmem:s17+$0xFFFFFFC0] =	vst v4  }
0x43: {  	v47 =	vmin.f32 v5, $3.402823470e+38;
	v48 =	vld [tilespmem:s16+$0xFFFFFFC0];
	v7 =	vmul.f32 v45, v0;
	v49 =	vmin.f32 v8, $5.000000000e+00  }
0x44: {  	v3 =	vmin.f32 v3, $3.402823470e+38;
	[tilespmem:s16+$0xFFFFFFD0] =	vst v47;
	v6 =	vmax.f32 v44, $-3.402823470e+38;
	v4 =	vmul.f32 v49, v0  }
0x45: {  	v50 =	vld [tilespmem:s15+$0xFFFFFFD0];
	[tilespmem:s17+$0xFFFFFFF0] =	vst v3;
	v6 =	vmin.f32 v6, $3.402823470e+38;
	v7 =	vmax.f32 v7, $-3.402823470e+38  }
0x46: {  	v51 =	vmin.f32 v43, $5.000000000e+00;
	[tilespmem:s16+$0x30] =	vst v6;
	v3 =	vmin.f32 v7, $3.402823470e+38;
	v4 =	vmax.f32 v4, $-3.402823470e+38  }
0x47: {  	v6 =	vmul.f32 v51, v0;
	v52 =	vld [tilespmem:s15+$0x30];
	[tilespmem:s16+$0x0] =	vst v3;
	v3 =	vmin.f32 v4, $3.402823470e+38;
	v53 =	vmin.f32 v46, $5.000000000e+00  }
0x48: {  	v54 =	vld [tilespmem:s15+$0x0];
	v5 =	vmin.f32 v48, $5.000000000e+00;
	[tilespmem:s16+$0x10] =	vst v3;
	v3 =	vmul.f32 v53, v0  }
0x49: {  	v6 =	vmax.f32 v6, $-3.402823470e+38;
	v5 =	vmul.f32 v5, v0  }
0x4a: {  	v1 =	vmul.f32 v1, v0;
	v55 =	vmin.f32 v6, $3.402823470e+38;
	v56 =	vld [tilespmem:s15+$0x10];
	v3 =	vmax.f32 v3, $-3.402823470e+38  }
0x4b: {  	v8 =	vmin.f32 v50, $5.000000000e+00;
	[tilespmem:s16+$0xFFFFFFE0] =	vst v55;
	v5 =	vmax.f32 v5, $-3.402823470e+38;
	v3 =	vmin.f32 v3, $3.402823470e+38  }
0x4c: {  	v57 =	vmul.f32 v8, v0;
	v58 =	vld [tilespmem:s15+$0xFFFFFFE0];
	v5 =	vmin.f32 v5, $3.402823470e+38;
	[tilespmem:s16+$0x20] =	vst v3  }
0x4d: {  	v1 =	vmax.f32 v1, $-3.402823470e+38;
	v60 =	vmin.f32 v52, $5.000000000e+00;
	v59 =	vld [tilespmem:s15+$0x20];
	[tilespmem:s16+$0xFFFFFFC0] =	vst v5  }
0x4e: {  	v3 =	vmax.f32 v57, $-3.402823470e+38;
	v61 =	vmin.f32 v54, $5.000000000e+00;
	v5 =	vmul.f32 v60, v0;
	v62 =	vld [tilespmem:s15+$0xFFFFFFC0]  }
0x4f: {  	v3 =	vmin.f32 v3, $3.402823470e+38;
	v7 =	vmul.f32 v61, v0;
	v6 =	vmin.f32 v56, $5.000000000e+00  }
0x50: {  	v1 =	vmin.f32 v1, $3.402823470e+38;
	[tilespmem:s15+$0xFFFFFFD0] =	vst v3;
	v6 =	vmul.f32 v6, v0;
	v3 =	vmax.f32 v5, $-3.402823470e+38  }
0x51: {  	[tilespmem:s16+$0xFFFFFFF0] =	vst v1;
	v8 =	vmin.f32 v58, $5.000000000e+00;
	v7 =	vmax.f32 v7, $-3.402823470e+38;
	v1 =	vmin.f32 v3, $3.402823470e+38  }
0x52: {  	v63 =	vmul.f32 v8, v0;
	v3 =	vmin.f32 v7, $3.402823470e+38;
	v4 =	vmin.f32 v59, $5.000000000e+00  }
0x53: {  	v6 =	vmax.f32 v6, $-3.402823470e+38;
	[tilespmem:s15+$0x30] =	vst v1;
	v1 =	vmin.f32 v62, $5.000000000e+00;
	v4 =	vmul.f32 v4, v0  }
0x54: {  	[tilespmem:s15+$0x0] =	vst v3;
	v3 =	vmin.f32 v6, $3.402823470e+38;
	v5 =	vmax.f32 v63, $-3.402823470e+38;
	v1 =	vmul.f32 v1, v0  }
0x55: {  	v2 =	vmul.f32 v2, v0;
	[tilespmem:s15+$0x10] =	vst v3;
	v5 =	vmin.f32 v5, $3.402823470e+38;
	v3 =	vmax.f32 v4, $-3.402823470e+38  }
0x56: {  	[tilespmem:s15+$0xFFFFFFE0] =	vst v5;
	v1 =	vmax.f32 v1, $-3.402823470e+38;
	v3 =	vmin.f32 v3, $3.402823470e+38  }
0x57: {  	v2 =	vmax.f32 v2, $-3.402823470e+38;
	v1 =	vmin.f32 v1, $3.402823470e+38;
	[tilespmem:s15+$0x20] =	vst v3  }
0x58: {  	[tilespmem:s15+$0xFFFFFFC0] =	vst v1;
	v1 =	vmin.f32 v2, $3.402823470e+38  }
.Ltmp6:
0x59: {  	s14 =	sadd.s32 s6, s14;
	[tilespmem:s15+$0xFFFFFFF0] =	vst v1;
	(pc) =	sbr.rel .LBB2_6-.Ltmp6, $4  }
0x5a: {  	[hbm4b:s14+s2] =	stream.linear.scatter [tilespmem:s10], [sflag:$0x1], $0x13880, $0x38;
	[tilespmem:$0x13900] =	vst v63  }
0x5b: {  	_ =	swait.ge [sflag:s9], $0x13880  }
0x5c: {  	[sflag:s9] =	ssyncset.done $0x0  }
0x5d: {  	[sflag:s9] =	ssyncadd.s32 $0xFFFEC780  }
.LBB2_8:
0x5e: {  	_ =	sfence.sel $0x180000  }
0x5f: {  	[bflag:$0x0] =	sbarrier.arrive $0xFFFF  }
0x60: {  	p0 =	sne.s32 s4, $0x0;
	_ =	strace $0x90000047  }
0x61: {  	s0 =	sadd.s32 @!p0 $0x100000, s0;
	[bflag:$0x2] =	sbarrier.arrive $0xFFFF  }
0x62: {  	[sflag:s0] =	ssyncadd.tile.s32 @!p0 $0x1;
	_ =	shalt  }
.Lfunc_end2:
_tile_overlayer_lowered:
.L_overlay_start_2:
0x63: {  	(tag) =	ssettag $0x2  }
0x64: {  	s0 =	rddreg [dreg:$0x0];
	s2 =	stileid.u32  }
0x65: {  	s1 =	rddreg [dreg:$0x1];
	p0 =	sne.s32 s2, $0x0  }
0x66: {  	s3 =	rddreg [dreg:$0x2];
	[bflag:$0x3] =	sbarrier.arrive $0xFFFF;
	s2 =	simm.s32 @!p0 $0x1C01  }
0x67: {  	[timem:s3], [sflag:s2] =	dma.local @!p0 [hbm:s0], s1  }
0x68: {  	s0 =	simm.s32 @!p0 $0x1  }
0x69: {  	_ =	swait.ge @!p0 [sflag:s0], s1  }
0x6a: {  	s1 =	ssub.s32 @!p0 $0x0, s1;
	[sflag:s0] =	ssyncset.done @!p0 $0x0  }
0x6b: {  	[sflag:s0] =	ssyncadd.s32 @!p0 s1  }
0x6c: {  	[bflag:$0x3] =	sbarrier.arrive $0xFFFF  }
0x6d: {  	_ =	shalt  }

</sc_bundles>
